<compile_context>
chip_gen: v7x
topology: tpu7x:2x2x1
jax: 0.10.2.dev20260603
libtpu: 0.0.44.dev20260713+nightly
codegen_flags: <defaults>
</compile_context>

<pallas_src>
import functools

import jax
import jax.numpy as jnp
from jax import lax
from jax.experimental import pallas as pl
from jax.experimental.pallas import tpu as pltpu
from jax.experimental.pallas import tpu_sc as plsc

_NC = 2
_NS = 16
_NW = _NC * _NS
_LANES = 16

_BLK = 128
_LAG = 16


@functools.lru_cache(maxsize=None)
def _make_sc_gather(n_total, d):
    per_w = n_total // _NW
    n_blocks = per_w // _BLK
    vecs_per_blk = _BLK // _LANES

    mesh = plsc.VectorSubcoreMesh(core_axis_name="c", subcore_axis_name="s")

    @functools.partial(
        pl.kernel,
        mesh=mesh,
        out_type=jax.ShapeDtypeStruct((n_total,), jnp.float32),
        scratch_types=[
            pltpu.VMEM((per_w,), jnp.int32),
            pltpu.VMEM((per_w,), jnp.int32),
            pltpu.VMEM((per_w,), jnp.float32),
            pltpu.SemaphoreType.DMA,
        ],
    )
    def sc_gather(data_hbm, idx_hbm, out_hbm, raw_v, fidx_v, out_v, sem):
        wid = lax.axis_index("s") * _NC + lax.axis_index("c")
        base = wid * per_w

        pltpu.sync_copy(idx_hbm.at[pl.ds(base, per_w)], raw_v)

        def fire(g):
            for v in range(vecs_per_blk):
                off = pl.multiple_of(g * _BLK + v * _LANES, _LANES)
                col = lax.iota(jnp.int32, _LANES) + ((v * _LANES) % d)
                fidx_v[pl.ds(off, _LANES)] = raw_v[pl.ds(off, _LANES)] * d + col
            boff = pl.multiple_of(g * _BLK, _BLK)
            pltpu.async_copy(
                data_hbm.at[fidx_v.at[pl.ds(boff, _BLK)]],
                out_v.at[pl.ds(boff, _BLK)],
                sem,
            )

        def drain(g):
            boff = pl.multiple_of(g * _BLK, _BLK)
            pltpu.make_async_copy(
                data_hbm.at[fidx_v.at[pl.ds(boff, _BLK)]],
                out_v.at[pl.ds(boff, _BLK)],
                sem,
            ).wait()

        def loop_body(g, carry):
            fire(g)

            @pl.when(g >= _LAG)
            def _():
                drain(g - _LAG)

            return carry

        lax.fori_loop(0, n_blocks, loop_body, 0)

        def drain_body(g, carry):
            drain(g)
            return carry

        lax.fori_loop(n_blocks - _LAG, n_blocks, drain_body, 0)

        pltpu.sync_copy(out_v, out_hbm.at[pl.ds(base, per_w)])

    return sc_gather


def kernel(data, indices, axis):
    del axis
    v, d = data.shape
    r, c = indices.shape
    n_total = r * c
    assert c == d
    assert d % _LANES == 0 and _BLK % d == 0
    assert n_total % (_NW * _BLK) == 0

    half_rows = v // 2
    flat_lo = data[:half_rows].reshape(half_rows * d)
    pred = indices[0, 0] >= jnp.int32(-1)
    flat_hi = jnp.where(pred, data[half_rows:], jnp.float32(0)).reshape(
        half_rows * d
    )
    flat_idx = jnp.minimum(indices, half_rows - 1).reshape(n_total)
    out = _make_sc_gather(n_total, d)(flat_lo, flat_idx)
    return (out + flat_hi[:n_total]).reshape(r, c)

# --- scband reference (transcript-rebuilt; emitter-appended) ---
"""Pipeline reference for scband-gather-elements-82025285419696 (READ-ONLY COPY).

The authoritative reference and input builder live on the scoring server;
editing this copy changes nothing except your own understanding.
"""

import jax, jax.numpy as jnp
import numpy as np


def setup_inputs(seed: int = 0) -> dict:
    key = jax.random.key(seed)
    k1, k2 = jax.random.split(key)
    data = jax.random.normal(k1, (1000000, 64), dtype=jnp.float32)
    indices = jax.random.randint(k2, (16384, 64), 0, 1000000, dtype=jnp.int32)
    return {"data": data, "indices": indices, "axis": 0}


def reference(data, indices, axis=0):
    # Faithful translation of GatherElements.forward:
    # roll all dims by -axis, gather along dim 0 elementwise, roll back.
    # With axis=0 the rolls are no-ops; gather(0, indices) is an
    # elementwise gather: out[i, j] = data[indices[i, j], j].
    d = jnp.roll(data, -axis, axis=tuple(range(data.ndim)))
    idx = jnp.roll(indices, -axis, axis=tuple(range(indices.ndim)))
    gathered = jnp.take_along_axis(d, idx, axis=0)
    gathered = jnp.roll(gathered, axis, axis=tuple(range(gathered.ndim)))
    return gathered

if __name__ == "__main__":
    import jax
    _d = setup_inputs()
    print(jax.jit(kernel)(*tuple(_d.values())))

</pallas_src>

<mosaic_0001>
#map = affine_map<(d0, d1) -> (0)>
module attributes {stable_mosaic.version = 14 : i64} {
  func.func @sc_gather(%arg0: i32, %arg1: i32, %arg2: memref<32000000xf32, #tpu.memory_space<hbm>>, %arg3: memref<1048576xi32, #tpu.memory_space<hbm>>, %arg4: memref<1048576xf32, #tpu.memory_space<hbm>>, %arg5: memref<32768xi32, #tpu.memory_space<vmem>>, %arg6: memref<32768xi32, #tpu.memory_space<vmem>>, %arg7: memref<32768xf32, #tpu.memory_space<vmem>>, %arg8: memref<!tpu.dma_semaphore, #tpu.memory_space<semaphore_mem>>) attributes {dimension_semantics = [#tpu.dimension_semantics<core_parallel>, #tpu.dimension_semantics<subcore_parallel>], iteration_bounds = array<i64: 2, 16>, scalar_prefetch = 0 : i64, scratch_operands = 4 : i64, tpu.core_type = #tpu.core_type<sc_vector_subcore>, window_params = [{transform_indices = #map}, {transform_indices = #map}, {transform_indices = #map}]} {
    %mul3A = arith.constant 2 : i32
    %mul3A_0 = arith.muli %arg1, %mul3A : i32
    %add3A = arith.addi %mul3A_0, %arg0 : i32
    %mul3A_1 = arith.constant 32768 : i32
    %mul3A_2 = arith.muli %add3A, %mul3A_1 : i32
    "tpu.region"() ({
      %run_scoped3A = tpu.sem_alloc : memref<!tpu.dma_semaphore, #tpu.memory_space<semaphore_mem>>
      %dma_start3A = tpu.memref_slice %arg3[%mul3A_2] : memref<1048576xi32, #tpu.memory_space<hbm>> -> memref<32768xi32, #tpu.memory_space<hbm>>
      %dma_start3A_14 = tpu.memref_slice %arg3[%mul3A_2] : memref<1048576xi32, #tpu.memory_space<hbm>> -> memref<32768xi32, #tpu.memory_space<hbm>>
      tpu.enqueue_dma source(%dma_start3A_14 : memref<32768xi32, #tpu.memory_space<hbm>>) target(%arg5 : memref<32768xi32, #tpu.memory_space<vmem>>) target_semaphore(%run_scoped3A : memref<!tpu.dma_semaphore, #tpu.memory_space<semaphore_mem>>)
      %dma_wait3A = tpu.memref_slice %arg3[%mul3A_2] : memref<1048576xi32, #tpu.memory_space<hbm>> -> memref<32768xi32, #tpu.memory_space<hbm>>
      %dma_wait3A_15 = tpu.memref_slice %arg3[%mul3A_2] : memref<1048576xi32, #tpu.memory_space<hbm>> -> memref<32768xi32, #tpu.memory_space<hbm>>
      tpu.wait_dma2 semaphore(%run_scoped3A : memref<!tpu.dma_semaphore, #tpu.memory_space<semaphore_mem>>) src(%dma_wait3A_15 : memref<32768xi32, #tpu.memory_space<hbm>>) dst(%arg5 : memref<32768xi32, #tpu.memory_space<vmem>>)
      tpu.yield
    }) : () -> ()
    %scan3A = arith.constant 0 : i32
    %scan3A_3 = arith.constant 0 : i32
    %scan3A_4 = arith.constant 256 : i32
    %scan3A_5 = arith.addi %scan3A_3, %scan3A_4 : i32
    %scan3A_6 = arith.constant 1 : i32
    scf.for %scan3A_14 = %scan3A_3 to %scan3A_5 step %scan3A_6  : i32 {
      %mul3A_15 = arith.constant 128 : i32
      %mul3A_16 = arith.muli %scan3A_14, %mul3A_15 : i32
      %add3A_17 = arith.constant 0 : i32
      %add3A_18 = arith.addi %mul3A_16, %add3A_17 : i32
      %multiple_of3A = tpu.assume_multiple %add3A_18, 16 : i32
      %iota3A = tpu.iota {dimensions = array<i32: 0>} : vector<16xi32>
      %add3A_19 = arith.constant 0 : i32
      %add3A_20 = vector.broadcast %add3A_19 : i32 to vector<16xi32>
      %add3A_21 = arith.addi %iota3A, %add3A_20 : vector<16xi32>
      %get3A = arith.index_cast %multiple_of3A : i32 to index
      %get3A_22 = tpu.vector_load %arg5[%get3A] {strides = array<i32>} : memref<32768xi32, #tpu.memory_space<vmem>>, vector<16xi32>,
      %get3A_23 = vector.shape_cast %get3A_22 : vector<16xi32> to vector<16xi32>
      %mul3A_24 = arith.constant 64 : i32
      %mul3A_25 = vector.broadcast %mul3A_24 : i32 to vector<16xi32>
      %mul3A_26 = arith.muli %get3A_23, %mul3A_25 : vector<16xi32>
      %add3A_27 = arith.addi %mul3A_26, %add3A_21 : vector<16xi32>
      %swap3A = arith.index_cast %multiple_of3A : i32 to index
      %swap3A_28 = tpu.vector_load %arg6[%swap3A] {strides = array<i32>} : memref<32768xi32, #tpu.memory_space<vmem>>, vector<16xi32>,
      %swap3A_29 = vector.shape_cast %swap3A_28 : vector<16xi32> to vector<16xi32>
      %swap3A_30 = vector.shape_cast %add3A_27 : vector<16xi32> to vector<16xi32>
      tpu.vector_store %arg6[%swap3A], %swap3A_30 {strides = array<i32>} : memref<32768xi32, #tpu.memory_space<vmem>>, vector<16xi32>,
      %mul3A_31 = arith.constant 128 : i32
      %mul3A_32 = arith.muli %scan3A_14, %mul3A_31 : i32
      %add3A_33 = arith.constant 16 : i32
      %add3A_34 = arith.addi %mul3A_32, %add3A_33 : i32
      %multiple_of3A_35 = tpu.assume_multiple %add3A_34, 16 : i32
      %iota3A_36 = tpu.iota {dimensions = array<i32: 0>} : vector<16xi32>
      %add3A_37 = arith.constant 16 : i32
      %add3A_38 = vector.broadcast %add3A_37 : i32 to vector<16xi32>
      %add3A_39 = arith.addi %iota3A_36, %add3A_38 : vector<16xi32>
      %get3A_40 = arith.index_cast %multiple_of3A_35 : i32 to index
      %get3A_41 = tpu.vector_load %arg5[%get3A_40] {strides = array<i32>} : memref<32768xi32, #tpu.memory_space<vmem>>, vector<16xi32>,
      %get3A_42 = vector.shape_cast %get3A_41 : vector<16xi32> to vector<16xi32>
      %mul3A_43 = arith.constant 64 : i32
      %mul3A_44 = vector.broadcast %mul3A_43 : i32 to vector<16xi32>
      %mul3A_45 = arith.muli %get3A_42, %mul3A_44 : vector<16xi32>
      %add3A_46 = arith.addi %mul3A_45, %add3A_39 : vector<16xi32>
      %swap3A_47 = arith.index_cast %multiple_of3A_35 : i32 to index
      %swap3A_48 = tpu.vector_load %arg6[%swap3A_47] {strides = array<i32>} : memref<32768xi32, #tpu.memory_space<vmem>>, vector<16xi32>,
      %swap3A_49 = vector.shape_cast %swap3A_48 : vector<16xi32> to vector<16xi32>
      %swap3A_50 = vector.shape_cast %add3A_46 : vector<16xi32> to vector<16xi32>
      tpu.vector_store %arg6[%swap3A_47], %swap3A_50 {strides = array<i32>} : memref<32768xi32, #tpu.memory_space<vmem>>, vector<16xi32>,
      %mul3A_51 = arith.constant 128 : i32
      %mul3A_52 = arith.muli %scan3A_14, %mul3A_51 : i32
      %add3A_53 = arith.constant 32 : i32
      %add3A_54 = arith.addi %mul3A_52, %add3A_53 : i32
      %multiple_of3A_55 = tpu.assume_multiple %add3A_54, 16 : i32
      %iota3A_56 = tpu.iota {dimensions = array<i32: 0>} : vector<16xi32>
      %add3A_57 = arith.constant 32 : i32
      %add3A_58 = vector.broadcast %add3A_57 : i32 to vector<16xi32>
      %add3A_59 = arith.addi %iota3A_56, %add3A_58 : vector<16xi32>
      %get3A_60 = arith.index_cast %multiple_of3A_55 : i32 to index
      %get3A_61 = tpu.vector_load %arg5[%get3A_60] {strides = array<i32>} : memref<32768xi32, #tpu.memory_space<vmem>>, vector<16xi32>,
      %get3A_62 = vector.shape_cast %get3A_61 : vector<16xi32> to vector<16xi32>
      %mul3A_63 = arith.constant 64 : i32
      %mul3A_64 = vector.broadcast %mul3A_63 : i32 to vector<16xi32>
      %mul3A_65 = arith.muli %get3A_62, %mul3A_64 : vector<16xi32>
      %add3A_66 = arith.addi %mul3A_65, %add3A_59 : vector<16xi32>
      %swap3A_67 = arith.index_cast %multiple_of3A_55 : i32 to index
      %swap3A_68 = tpu.vector_load %arg6[%swap3A_67] {strides = array<i32>} : memref<32768xi32, #tpu.memory_space<vmem>>, vector<16xi32>,
      %swap3A_69 = vector.shape_cast %swap3A_68 : vector<16xi32> to vector<16xi32>
      %swap3A_70 = vector.shape_cast %add3A_66 : vector<16xi32> to vector<16xi32>
      tpu.vector_store %arg6[%swap3A_67], %swap3A_70 {strides = array<i32>} : memref<32768xi32, #tpu.memory_space<vmem>>, vector<16xi32>,
      %mul3A_71 = arith.constant 128 : i32
      %mul3A_72 = arith.muli %scan3A_14, %mul3A_71 : i32
      %add3A_73 = arith.constant 48 : i32
      %add3A_74 = arith.addi %mul3A_72, %add3A_73 : i32
      %multiple_of3A_75 = tpu.assume_multiple %add3A_74, 16 : i32
      %iota3A_76 = tpu.iota {dimensions = array<i32: 0>} : vector<16xi32>
      %add3A_77 = arith.constant 48 : i32
      %add3A_78 = vector.broadcast %add3A_77 : i32 to vector<16xi32>
      %add3A_79 = arith.addi %iota3A_76, %add3A_78 : vector<16xi32>
      %get3A_80 = arith.index_cast %multiple_of3A_75 : i32 to index
      %get3A_81 = tpu.vector_load %arg5[%get3A_80] {strides = array<i32>} : memref<32768xi32, #tpu.memory_space<vmem>>, vector<16xi32>,
      %get3A_82 = vector.shape_cast %get3A_81 : vector<16xi32> to vector<16xi32>
      %mul3A_83 = arith.constant 64 : i32
      %mul3A_84 = vector.broadcast %mul3A_83 : i32 to vector<16xi32>
      %mul3A_85 = arith.muli %get3A_82, %mul3A_84 : vector<16xi32>
      %add3A_86 = arith.addi %mul3A_85, %add3A_79 : vector<16xi32>
      %swap3A_87 = arith.index_cast %multiple_of3A_75 : i32 to index
      %swap3A_88 = tpu.vector_load %arg6[%swap3A_87] {strides = array<i32>} : memref<32768xi32, #tpu.memory_space<vmem>>, vector<16xi32>,
      %swap3A_89 = vector.shape_cast %swap3A_88 : vector<16xi32> to vector<16xi32>
      %swap3A_90 = vector.shape_cast %add3A_86 : vector<16xi32> to vector<16xi32>
      tpu.vector_store %arg6[%swap3A_87], %swap3A_90 {strides = array<i32>} : memref<32768xi32, #tpu.memory_space<vmem>>, vector<16xi32>,
      %mul3A_91 = arith.constant 128 : i32
      %mul3A_92 = arith.muli %scan3A_14, %mul3A_91 : i32
      %add3A_93 = arith.constant 64 : i32
      %add3A_94 = arith.addi %mul3A_92, %add3A_93 : i32
      %multiple_of3A_95 = tpu.assume_multiple %add3A_94, 16 : i32
      %iota3A_96 = tpu.iota {dimensions = array<i32: 0>} : vector<16xi32>
      %add3A_97 = arith.constant 0 : i32
      %add3A_98 = vector.broadcast %add3A_97 : i32 to vector<16xi32>
      %add3A_99 = arith.addi %iota3A_96, %add3A_98 : vector<16xi32>
      %get3A_100 = arith.index_cast %multiple_of3A_95 : i32 to index
      %get3A_101 = tpu.vector_load %arg5[%get3A_100] {strides = array<i32>} : memref<32768xi32, #tpu.memory_space<vmem>>, vector<16xi32>,
      %get3A_102 = vector.shape_cast %get3A_101 : vector<16xi32> to vector<16xi32>
      %mul3A_103 = arith.constant 64 : i32
      %mul3A_104 = vector.broadcast %mul3A_103 : i32 to vector<16xi32>
      %mul3A_105 = arith.muli %get3A_102, %mul3A_104 : vector<16xi32>
      %add3A_106 = arith.addi %mul3A_105, %add3A_99 : vector<16xi32>
      %swap3A_107 = arith.index_cast %multiple_of3A_95 : i32 to index
      %swap3A_108 = tpu.vector_load %arg6[%swap3A_107] {strides = array<i32>} : memref<32768xi32, #tpu.memory_space<vmem>>, vector<16xi32>,
      %swap3A_109 = vector.shape_cast %swap3A_108 : vector<16xi32> to vector<16xi32>
      %swap3A_110 = vector.shape_cast %add3A_106 : vector<16xi32> to vector<16xi32>
      tpu.vector_store %arg6[%swap3A_107], %swap3A_110 {strides = array<i32>} : memref<32768xi32, #tpu.memory_space<vmem>>, vector<16xi32>,
      %mul3A_111 = arith.constant 128 : i32
      %mul3A_112 = arith.muli %scan3A_14, %mul3A_111 : i32
      %add3A_113 = arith.constant 80 : i32
      %add3A_114 = arith.addi %mul3A_112, %add3A_113 : i32
      %multiple_of3A_115 = tpu.assume_multiple %add3A_114, 16 : i32
      %iota3A_116 = tpu.iota {dimensions = array<i32: 0>} : vector<16xi32>
      %add3A_117 = arith.constant 16 : i32
      %add3A_118 = vector.broadcast %add3A_117 : i32 to vector<16xi32>
      %add3A_119 = arith.addi %iota3A_116, %add3A_118 : vector<16xi32>
      %get3A_120 = arith.index_cast %multiple_of3A_115 : i32 to index
      %get3A_121 = tpu.vector_load %arg5[%get3A_120] {strides = array<i32>} : memref<32768xi32, #tpu.memory_space<vmem>>, vector<16xi32>,
      %get3A_122 = vector.shape_cast %get3A_121 : vector<16xi32> to vector<16xi32>
      %mul3A_123 = arith.constant 64 : i32
      %mul3A_124 = vector.broadcast %mul3A_123 : i32 to vector<16xi32>
      %mul3A_125 = arith.muli %get3A_122, %mul3A_124 : vector<16xi32>
      %add3A_126 = arith.addi %mul3A_125, %add3A_119 : vector<16xi32>
      %swap3A_127 = arith.index_cast %multiple_of3A_115 : i32 to index
      %swap3A_128 = tpu.vector_load %arg6[%swap3A_127] {strides = array<i32>} : memref<32768xi32, #tpu.memory_space<vmem>>, vector<16xi32>,
      %swap3A_129 = vector.shape_cast %swap3A_128 : vector<16xi32> to vector<16xi32>
      %swap3A_130 = vector.shape_cast %add3A_126 : vector<16xi32> to vector<16xi32>
      tpu.vector_store %arg6[%swap3A_127], %swap3A_130 {strides = array<i32>} : memref<32768xi32, #tpu.memory_space<vmem>>, vector<16xi32>,
      %mul3A_131 = arith.constant 128 : i32
      %mul3A_132 = arith.muli %scan3A_14, %mul3A_131 : i32
      %add3A_133 = arith.constant 96 : i32
      %add3A_134 = arith.addi %mul3A_132, %add3A_133 : i32
      %multiple_of3A_135 = tpu.assume_multiple %add3A_134, 16 : i32
      %iota3A_136 = tpu.iota {dimensions = array<i32: 0>} : vector<16xi32>
      %add3A_137 = arith.constant 32 : i32
      %add3A_138 = vector.broadcast %add3A_137 : i32 to vector<16xi32>
      %add3A_139 = arith.addi %iota3A_136, %add3A_138 : vector<16xi32>
      %get3A_140 = arith.index_cast %multiple_of3A_135 : i32 to index
      %get3A_141 = tpu.vector_load %arg5[%get3A_140] {strides = array<i32>} : memref<32768xi32, #tpu.memory_space<vmem>>, vector<16xi32>,
      %get3A_142 = vector.shape_cast %get3A_141 : vector<16xi32> to vector<16xi32>
      %mul3A_143 = arith.constant 64 : i32
      %mul3A_144 = vector.broadcast %mul3A_143 : i32 to vector<16xi32>
      %mul3A_145 = arith.muli %get3A_142, %mul3A_144 : vector<16xi32>
      %add3A_146 = arith.addi %mul3A_145, %add3A_139 : vector<16xi32>
      %swap3A_147 = arith.index_cast %multiple_of3A_135 : i32 to index
      %swap3A_148 = tpu.vector_load %arg6[%swap3A_147] {strides = array<i32>} : memref<32768xi32, #tpu.memory_space<vmem>>, vector<16xi32>,
      %swap3A_149 = vector.shape_cast %swap3A_148 : vector<16xi32> to vector<16xi32>
      %swap3A_150 = vector.shape_cast %add3A_146 : vector<16xi32> to vector<16xi32>
      tpu.vector_store %arg6[%swap3A_147], %swap3A_150 {strides = array<i32>} : memref<32768xi32, #tpu.memory_space<vmem>>, vector<16xi32>,
      %mul3A_151 = arith.constant 128 : i32
      %mul3A_152 = arith.muli %scan3A_14, %mul3A_151 : i32
      %add3A_153 = arith.constant 112 : i32
      %add3A_154 = arith.addi %mul3A_152, %add3A_153 : i32
      %multiple_of3A_155 = tpu.assume_multiple %add3A_154, 16 : i32
      %iota3A_156 = tpu.iota {dimensions = array<i32: 0>} : vector<16xi32>
      %add3A_157 = arith.constant 48 : i32
      %add3A_158 = vector.broadcast %add3A_157 : i32 to vector<16xi32>
      %add3A_159 = arith.addi %iota3A_156, %add3A_158 : vector<16xi32>
      %get3A_160 = arith.index_cast %multiple_of3A_155 : i32 to index
      %get3A_161 = tpu.vector_load %arg5[%get3A_160] {strides = array<i32>} : memref<32768xi32, #tpu.memory_space<vmem>>, vector<16xi32>,
      %get3A_162 = vector.shape_cast %get3A_161 : vector<16xi32> to vector<16xi32>
      %mul3A_163 = arith.constant 64 : i32
      %mul3A_164 = vector.broadcast %mul3A_163 : i32 to vector<16xi32>
      %mul3A_165 = arith.muli %get3A_162, %mul3A_164 : vector<16xi32>
      %add3A_166 = arith.addi %mul3A_165, %add3A_159 : vector<16xi32>
      %swap3A_167 = arith.index_cast %multiple_of3A_155 : i32 to index
      %swap3A_168 = tpu.vector_load %arg6[%swap3A_167] {strides = array<i32>} : memref<32768xi32, #tpu.memory_space<vmem>>, vector<16xi32>,
      %swap3A_169 = vector.shape_cast %swap3A_168 : vector<16xi32> to vector<16xi32>
      %swap3A_170 = vector.shape_cast %add3A_166 : vector<16xi32> to vector<16xi32>
      tpu.vector_store %arg6[%swap3A_167], %swap3A_170 {strides = array<i32>} : memref<32768xi32, #tpu.memory_space<vmem>>, vector<16xi32>,
      %mul3A_171 = arith.constant 128 : i32
      %mul3A_172 = arith.muli %scan3A_14, %mul3A_171 : i32
      %multiple_of3A_173 = tpu.assume_multiple %mul3A_172, 128 : i32
      %dma_start3A = tpu.memref_slice %arg7[%multiple_of3A_173] : memref<32768xf32, #tpu.memory_space<vmem>> -> memref<128xf32, #tpu.memory_space<vmem>>
      %dma_start3A_174 = tpu.memref_slice %arg6[%multiple_of3A_173] : memref<32768xi32, #tpu.memory_space<vmem>> -> memref<128xi32, #tpu.memory_space<vmem>>
      %dma_start3A_175 = arith.constant 0 : i32
      %dma_start3A_176 = tpu.memref_slice %arg2[%dma_start3A_175] : memref<32000000xf32, #tpu.memory_space<hbm>> -> memref<32000000xf32, #tpu.memory_space<hbm>>
      tpu.enqueue_indirect_dma source(%dma_start3A_176 : memref<32000000xf32, #tpu.memory_space<hbm>>) target(%dma_start3A : memref<128xf32, #tpu.memory_space<vmem>>) offsets(%dma_start3A_174 : memref<128xi32, #tpu.memory_space<vmem>>) semaphore(%arg8 : memref<!tpu.dma_semaphore, #tpu.memory_space<semaphore_mem>>)
      %ge3A = arith.constant 16 : i32
      %ge3A_177 = arith.cmpi sge, %scan3A_14, %ge3A : i32
      %convert_element_type3A = arith.extui %ge3A_177 : i1 to i32
      %cond3A = arith.constant 0 : i32
      %cond3A_178 = arith.cmpi ne, %convert_element_type3A, %cond3A : i32
      scf.if %cond3A_178 {
        %sub3A = arith.constant 16 : i32
        %sub3A_179 = arith.subi %scan3A_14, %sub3A : i32
        %mul3A_180 = arith.constant 128 : i32
        %mul3A_181 = arith.muli %sub3A_179, %mul3A_180 : i32
        %multiple_of3A_182 = tpu.assume_multiple %mul3A_181, 128 : i32
        %dma_wait3A = tpu.memref_slice %arg7[%multiple_of3A_182] : memref<32768xf32, #tpu.memory_space<vmem>> -> memref<128xf32, #tpu.memory_space<vmem>>
        %dma_wait3A_183 = tpu.memref_slice %arg6[%multiple_of3A_182] : memref<32768xi32, #tpu.memory_space<vmem>> -> memref<128xi32, #tpu.memory_space<vmem>>
        %dma_wait3A_184 = arith.constant 0 : i32
        %dma_wait3A_185 = tpu.memref_slice %arg2[%dma_wait3A_184] : memref<32000000xf32, #tpu.memory_space<hbm>> -> memref<32000000xf32, #tpu.memory_space<hbm>>
        tpu.wait_indirect_dma semaphore(%arg8 : memref<!tpu.dma_semaphore, #tpu.memory_space<semaphore_mem>>) src(%dma_wait3A_185 : memref<32000000xf32, #tpu.memory_space<hbm>>) dst(%dma_wait3A : memref<128xf32, #tpu.memory_space<vmem>>)
      } else {
      }
    }
    %scan3A_7 = arith.constant 256 : i32
    %scan3A_8 = arith.constant 0 : i32
    %scan3A_9 = arith.constant 240 : i32
    %scan3A_10 = arith.constant 16 : i32
    %scan3A_11 = arith.addi %scan3A_9, %scan3A_10 : i32
    %scan3A_12 = arith.constant 1 : i32
    scf.for %scan3A_14 = %scan3A_9 to %scan3A_11 step %scan3A_12  : i32 {
      %mul3A_15 = arith.constant 128 : i32
      %mul3A_16 = arith.muli %scan3A_14, %mul3A_15 : i32
      %multiple_of3A = tpu.assume_multiple %mul3A_16, 128 : i32
      %dma_wait3A = tpu.memref_slice %arg7[%multiple_of3A] : memref<32768xf32, #tpu.memory_space<vmem>> -> memref<128xf32, #tpu.memory_space<vmem>>
      %dma_wait3A_17 = tpu.memref_slice %arg6[%multiple_of3A] : memref<32768xi32, #tpu.memory_space<vmem>> -> memref<128xi32, #tpu.memory_space<vmem>>
      %dma_wait3A_18 = arith.constant 0 : i32
      %dma_wait3A_19 = tpu.memref_slice %arg2[%dma_wait3A_18] : memref<32000000xf32, #tpu.memory_space<hbm>> -> memref<32000000xf32, #tpu.memory_space<hbm>>
      tpu.wait_indirect_dma semaphore(%arg8 : memref<!tpu.dma_semaphore, #tpu.memory_space<semaphore_mem>>) src(%dma_wait3A_19 : memref<32000000xf32, #tpu.memory_space<hbm>>) dst(%dma_wait3A : memref<128xf32, #tpu.memory_space<vmem>>)
    }
    %scan3A_13 = arith.constant 16 : i32
    "tpu.region"() ({
      %run_scoped3A = tpu.sem_alloc : memref<!tpu.dma_semaphore, #tpu.memory_space<semaphore_mem>>
      %dma_start3A = tpu.memref_slice %arg4[%mul3A_2] : memref<1048576xf32, #tpu.memory_space<hbm>> -> memref<32768xf32, #tpu.memory_space<hbm>>
      %dma_start3A_14 = tpu.memref_slice %arg4[%mul3A_2] : memref<1048576xf32, #tpu.memory_space<hbm>> -> memref<32768xf32, #tpu.memory_space<hbm>>
      tpu.enqueue_dma source(%arg7 : memref<32768xf32, #tpu.memory_space<vmem>>) target(%dma_start3A_14 : memref<32768xf32, #tpu.memory_space<hbm>>) target_semaphore(%run_scoped3A : memref<!tpu.dma_semaphore, #tpu.memory_space<semaphore_mem>>)
      %dma_wait3A = tpu.memref_slice %arg4[%mul3A_2] : memref<1048576xf32, #tpu.memory_space<hbm>> -> memref<32768xf32, #tpu.memory_space<hbm>>
      %dma_wait3A_15 = tpu.memref_slice %arg4[%mul3A_2] : memref<1048576xf32, #tpu.memory_space<hbm>> -> memref<32768xf32, #tpu.memory_space<hbm>>
      tpu.wait_dma2 semaphore(%run_scoped3A : memref<!tpu.dma_semaphore, #tpu.memory_space<semaphore_mem>>) src(%arg7 : memref<32768xf32, #tpu.memory_space<vmem>>) dst(%dma_wait3A_15 : memref<32768xf32, #tpu.memory_space<hbm>>)
      tpu.yield
    }) : () -> ()
    return
  }
}

</mosaic_0001>

<sc_bundles>
// kernel: kernel.3.cloned.1.call-start
scs
__scs_entry_jumppad:
0x0: {  	(pc) =	sbr.rel $0x88, $3  }
0x1: {  	(tag) =	ssettag $0x0;
	lr =	simm.s32 $0x1  }
0x2: {  	[smem:$0x3F9F] =	sst lr;
	_ =	strace $0xD0000000  }
0x3: {  	_ = 	snop  }
0x4: {  	_ = 	snop  }
0x5: {  	_ = 	snop  }
0x6: {  	_ = 	snop  }
0x7: {  	_ = 	snop  }
__scs_overlays_trampoline_lowered:
0x8: {  	[smem:$0x3FAE] =	sst s0  }
0x9: {  	[smem:$0x3FAF] =	sst s1  }
0xa: {  	[smem:$0x3FB0] =	sst s2  }
0xb: {  	[smem:$0x3FB1] =	sst s3  }
0xc: {  	[smem:$0x3FB2] =	sst s4  }
0xd: {  	[smem:$0x3FB3] =	sst s5  }
0xe: {  	[smem:$0x3FB4] =	sst s6  }
0xf: {  	[smem:$0x3FB5] =	sst s7  }
0x10: {  	[smem:$0x3FB6] =	sst s8  }
0x11: {  	[smem:$0x3FB7] =	sst s9;
	s0 =	simm.s32 @!p0 $0x0  }
0x12: {  	s1 =	sld [smem:$0x3F9D];
	s0 =	simm.s32 @p0 $0x1  }
0x13: {  	[smem:$0x3FB8] =	sst s0;
	s0 =	simm.s32 @!p1 $0x0  }
0x14: {  	s2 =	sld [smem:$0x3F9C];
	s0 =	simm.s32 @p1 $0x1  }
0x15: {  	[smem:$0x3FB9] =	sst s0;
	s0 =	simm.s32 @!p2 $0x0  }
0x16: {  	s3 =	sld [smem:$0x3FDB];
	s0 =	simm.s32 @p2 $0x1  }
0x17: {  	s4 =	simm.s32 $0x1BF5;
	[smem:$0x3FBB] =	sst s0  }
0x18: {  	s0 =	sld [smem:$0x3F9E];
	_ =	swait.ge [sflag:s4], $0x0  }
0x19: {  	s7 =	sld [smem:$0x3F9F]  }
0x1a: {  	s8 =	sadd.s32 $0xFFFFE003, lr  }
0x1b: {  	s9 =	sadd.s32 $0xFFFFFEF7, lr;
	s5 =	simm.s32 $0xFFFFFFFF;
	p2 =	slt.u32 s8, $0xFFFFF086  }
0x1c: {  	p1 =	slt.u32 s9, $0xF7A;
	s5 =	simm.s32 @!p2 $0x0  }
0x1d: {  	s5 =	simm.s32 @p1 $0x1;
	p0 =	seq.s32 s7, s2  }
0x1e: {  	s7 =	smul.u32 @!p0 $0xF7A, s2;
	p2 =	seq.s32 @!p0 s5, $0x0  }
0x1f: {  	s9 =	smul.u32 $0xF7A, s1;
	s8 =	simm.s32 @!p0 $0x1BF5;
	p2 =	por !p2, p0  }
0x20: {  	[sflag:s8] =	ssyncset.s32 @!p0 $0xFFFFF086;
	s6 =	sadd.s32 @!p0 s3, s7;
	s7 =	simm.s32 @!p0 $0x108  }
0x21: {  	s3 =	sadd.s32 s3, s9;
	s6 =	sadd.s32 @!p0 $0x88, s6;
	s7 =	simm.s32 @p2 $0x1082  }
0x22: {  	[simem:s7], [sflag:s8] =	dma.local @!p0 [hbm:s6], $0xF7A  }
0x23: {  	s9 =	sor.u32 $0xD0000000, s2;
	s6 =	simm.s32 $0x108;
	_ =	swait.ge @!p0 [sflag:s8], $0x0  }
0x24: {  	s3 =	sadd.s32 $0x88, s3;
	s6 =	simm.s32 @!p1 $0x1082;
	[sflag:s4] =	ssyncset.s32 $0xFFFFF086  }
0x25: {  	[simem:s6], [sflag:s4] =	dma.local [hbm:s3], $0xF7A  }
0x26: {  	[smem:$0x3F9F] =	sst s1;
	(tag) =	ssettag s2;
	_ =	strace s9  }
0x27: {  	s1 =	sld [smem:$0x3FAF]  }
0x28: {  	s2 =	sld [smem:$0x3FB0]  }
0x29: {  	s4 =	sld [smem:$0x3FB2]  }
0x2a: {  	p0 =	seq.s32 s5, $0x0;
	s5 =	sld [smem:$0x3FB3]  }
0x2b: {  	s6 =	sld [smem:$0x3FB4]  }
0x2c: {  	s7 =	sld [smem:$0x3FB5]  }
0x2d: {  	s3 =	simm.s32 $0x108;
	s8 =	sld [smem:$0x3FB6]  }
0x2e: {  	s3 =	simm.s32 @!p0 $0x1082;
	s9 =	sld [smem:$0x3FB7]  }
0x2f: {  	lr =	sadd.s32 s0, s3;
	s0 =	sld [smem:$0x3FAE]  }
0x30: {  	s3 =	sld [smem:$0x3FB1]  }
0x31: {  	[smem:$0x3FBA] =	sst s10  }
0x32: {  	s10 =	sld [smem:$0x3FB8];
	_ =	sdelay $0x3  }
0x33: {  	p0 =	seq.s32 s10, $0x1;
	s10 =	sld [smem:$0x3FBA];
	_ =	sdelay $0x3  }
0x34: {  	[smem:$0x3FBA] =	sst s10  }
0x35: {  	s10 =	sld [smem:$0x3FB9];
	_ =	sdelay $0x3  }
0x36: {  	p1 =	seq.s32 s10, $0x1;
	s10 =	sld [smem:$0x3FBA];
	_ =	sdelay $0x3  }
0x37: {  	[smem:$0x3FBA] =	sst s10  }
0x38: {  	s10 =	sld [smem:$0x3FBB]  }
0x39: {  	_ = 	snop;
	(pc) =	sbr.ind lr, $3  }
0x3a: {  	_ = 	snop  }
0x3b: {  	_ = 	snop  }
0x3c: {  	p2 =	seq.s32 s10, $0x1;
	s10 =	sld [smem:$0x3FBA]  }
0x3d: {  	_ =	shalt  }
0x3e: {  	_ =	shalt  }
0x3f: {  	_ =	shalt  }
0x40: {  	_ =	shalt  }
0x41: {  	_ =	shalt  }
0x42: {  	_ =	shalt  }
0x43: {  	_ =	shalt  }
0x44: {  	_ =	shalt  }
0x45: {  	_ =	shalt  }
0x46: {  	_ =	shalt  }
0x47: {  	_ =	shalt  }
0x48: {  	_ =	shalt  }
0x49: {  	_ =	shalt  }
0x4a: {  	_ =	shalt  }
0x4b: {  	_ =	shalt  }
0x4c: {  	_ =	shalt  }
0x4d: {  	_ =	shalt  }
0x4e: {  	_ =	shalt  }
0x4f: {  	_ =	shalt  }
0x50: {  	_ =	shalt  }
0x51: {  	_ =	shalt  }
0x52: {  	_ =	shalt  }
0x53: {  	_ =	shalt  }
0x54: {  	_ =	shalt  }
0x55: {  	_ =	shalt  }
0x56: {  	_ =	shalt  }
0x57: {  	_ =	shalt  }
0x58: {  	_ =	shalt  }
0x59: {  	_ =	shalt  }
0x5a: {  	_ =	shalt  }
0x5b: {  	_ =	shalt  }
0x5c: {  	_ =	shalt  }
0x5d: {  	_ =	shalt  }
0x5e: {  	_ =	shalt  }
0x5f: {  	_ =	shalt  }
0x60: {  	_ =	shalt  }
0x61: {  	_ =	shalt  }
0x62: {  	_ =	shalt  }
0x63: {  	_ =	shalt  }
0x64: {  	_ =	shalt  }
0x65: {  	_ =	shalt  }
0x66: {  	_ =	shalt  }
0x67: {  	_ =	shalt  }
0x68: {  	_ =	shalt  }
0x69: {  	_ =	shalt  }
0x6a: {  	_ =	shalt  }
0x6b: {  	_ =	shalt  }
0x6c: {  	_ =	shalt  }
0x6d: {  	_ =	shalt  }
0x6e: {  	_ =	shalt  }
0x6f: {  	_ =	shalt  }
0x70: {  	_ =	shalt  }
0x71: {  	_ =	shalt  }
0x72: {  	_ =	shalt  }
0x73: {  	_ =	shalt  }
0x74: {  	_ =	shalt  }
0x75: {  	_ =	shalt  }
0x76: {  	_ =	shalt  }
0x77: {  	_ =	shalt  }
0x78: {  	_ =	shalt  }
0x79: {  	_ =	shalt  }
0x7a: {  	_ =	shalt  }
0x7b: {  	_ =	shalt  }
0x7c: {  	_ =	shalt  }
0x7d: {  	_ =	shalt  }
0x7e: {  	_ =	shalt  }
0x7f: {  	_ =	shalt  }
0x80: {  	_ =	shalt  }
0x81: {  	_ =	shalt  }
0x82: {  	_ =	shalt  }
0x83: {  	_ =	shalt  }
0x84: {  	_ =	shalt  }
0x85: {  	_ =	shalt  }
0x86: {  	_ =	shalt  }
0x87: {  	_ =	shalt  }
.Lfunc_end0:
.L_simem_size_0:
called_computation_lowered:
.L_overlay_start_0:
0x88: {  	s2 =	sld [smem:$0x3FD9]  }
0x89: {  	s3 =	sld [smem:$0x3FFE];
	_ =	sdelay $0x1  }
0x8a: {  	s1 =	srdreg.scid  }
0x8b: {  	s0 =	sand.u32 $0x1, s1  }
0x8c: {  	s17 =	sshll.u32 s0, $0xA;
	s2 =	sadd.s32 s3, s2  }
0x8d: {  	s2 =	sadd.s32 s2, s17  }
0x8e: {  	[smem:$0x3FC6] =	sst s2  }
0x8f: {  	_ = 	snop  }
0x90: {  	s2 =	sld [smem:$0x3FD0];
	(tm) =	ssettm $0x1  }
0x91: {  	s18 =	sld [smem:$0x3FFB];
	_ =	sdelay $0x3  }
0x92: {  	_ =	strace s18  }
0x93: {  	s3 =	sld [smem:$0x3FFC];
	_ =	sdelay $0x3  }
0x94: {  	_ =	strace s3  }
0x95: {  	s3 =	sld [smem:$0x3FFD];
	_ =	sdelay $0x3  }
0x96: {  	_ =	strace s3  }
0x97: {  	_ =	strace $0x8FFFFFFF  }
0x98: {  	s19 =	sld [smem:$0x3FDB];
	_ =	sdelay $0x1  }
0x99: {  	s4 =	simm.s32 $_scs_section_size  }
0x9a: {  	s5 =	simm.s32 $_size__tile_overlayer_lowered;
	s6 =	simm.s32 $_tile_overlayer_lowered  }
0x9b: {  	s22 =	simm.s32 $0x1BFF;
	s21 =	sshll.u32 s6, $0x1;
	s3 =	sadd.s32 s4, s19  }
0x9c: {  	s7 =	simm.s32 $0x0;
	s20 =	sshll.u32 s5, $0x1;
	s5 =	sadd.s32 s21, s3  }
0x9d: {  	[timem:s7], [sflag:s22] =	dma.local [hbm:s5], s20  }
0x9e: {  	_ =	swait.ge [sflag:s22], s20  }
0x9f: {  	s4 =	ssub.s32 $0x0, s20;
	[sflag:s22] =	ssyncset.done $0x0  }
0xa0: {  	[sflag:s22] =	ssyncadd.s32 s4;
	_ =	sdelay $0x1  }
0xa1: {  	s23 =	simm.s32 $0x1B8B  }
0xa2: {  	_ =	swait.ge [sflag:s23], $0x1  }
0xa3: {  	[sflag:s23] =	ssyncset.done $0x0  }
0xa4: {  	s25 =	simm.s32 $0x1B8E;
	s24 =	sld [smem:$0x3FFE];
	[sflag:s23] =	ssyncadd.s32 $0xFFFFFFFF  }
0xa5: {  	s26 =	simm.s32 $execute0_lowered;
	[smem:$0x3FD2] =	sst s25  }
0xa6: {  	s5 =	sshll.u32 s26, $0x1;
	_ =	strace $0x80000046;
	[dreg:$0x1] =	wrdreg $0xFFFFFFFF  }
0xa7: {  	s28 =	simm.s32 $_size_execute0_lowered;
	s3 =	sadd.s32 s3, s5;
	[dreg:$0x0] =	wrdreg $0x0  }
0xa8: {  	s5 =	sshll.u32 s28, $0x1;
	[dreg:$0x2] =	wrdreg s3  }
0xa9: {  	[dreg:$0x3] =	wrdreg s5  }
0xaa: {  	[dreg:$0x4] =	wrdreg $0xC0  }
0xab: {  	_ =	task [dreg:s7], $0x5FFFF  }
0xac: {  	[dreg:$0x1] =	wrdreg $0xFFFFFFFF  }
0xad: {  	[dreg:$0x0] =	wrdreg $0x60  }
0xae: {  	[dreg:$0x2] =	wrdreg s24  }
0xaf: {  	[dreg:$0x3] =	wrdreg s2  }
0xb0: {  	[dreg:$0x4] =	wrdreg $0x9  }
0xb1: {  	_ =	task.clear_ibuf [dreg:s7], $0x5FFFF;
	_ =	strace $0x90000046  }
0xb2: {  	s29 =	simm.s32 $0x9;
	_ =	strace $0x80000048  }
0xb3: {  	_ =	swait.ge [sflag:s29], $0x1  }
0xb4: {  	[sflag:s29] =	ssyncadd.s32 $0xFFFFFFFF  }
0xb5: {  	_ =	strace $0x90000048  }
0xb6: {  	_ =	sfence  }
0xb7: {  	s30 =	sld [smem:$0x0];
	_ =	sdelay $0x2  }
0xb8: {  	s31 =	sshll.u32 s1, $0xD;
	s1 =	sshrl.u32 s1, $0x2  }
0xb9: {  	s3 =	sand.u32 $0x4000, s31;
	s1 =	sadd.s32 s1, s30  }
0xba: {  	s0 =	sor.u32 s3, s0;
	s1 =	sshll.u32 s1, $0x11  }
0xbb: {  	s0 =	sor.u32 s1, s0  }
0xbc: {  	s0 =	sadd.s32 $0x8F2B, s0  }
0xbd: {  	[sflag:s0] =	ssyncadd.remote.s32 $0x1  }
0xbe: {  	_ =	sfence.sel $0xFFFF  }
0xbf: {  	[dreg:$0x0] =	wrdreg $0xFFFFFFFF;
	(pc) =	sbr.abs _section_cstart, $3  }
0xc0: {  	[dreg:$0x1] =	wrdreg $0xFFFFFFFF  }
0xc1: {  	_ =	task.clear_ibuf [dreg:s7], $0x2FFFF;
	_ =	strace $0x9FFFFFFF  }
0xc2: {  	(tm) =	ssettm $0x7FFFFFFF  }
0xc3: {  	_ =	shalt  }
tec
execute0_lowered:
.L_overlay_start_1:
0x0: {  	(tag) =	ssettag $0x1  }
0x1: {  	s4 =	rddreg [dreg:$0x0]  }
0x2: {  	s5 =	rddreg [dreg:$0x1]  }
0x3: {  	s0 =	rddreg [dreg:$0x2];
	s3 =	srdreg.scid  }
0x4: {  	s2 =	simm.s32 $0x0;
	s1 =	stileid.u32;
	s9 =	simm.s32 $0x1  }
0x5: {  	s10 =	simm.s32 $0x10000;
	s11 =	simm.s32 $0x0;
	s3 =	sand.u32 $0x1, s3  }
0x6: {  	[smem:$0x7FF] =	sst s2;
	s6 =	sshll.u32 s1, $0xD;
	s7 =	sshll.u32 s3, $0xC  }
0x7: {  	_ =	strace $0x80000047;
	s30 =	ssub.s32 $0x2, s3;
	s6 =	sor.u32 s7, s6  }
0x8: {  	s3 =	sadd.s32 $0x600, s4;
	s31 =	sshrl.u32 s30, $0x1;
	s8 =	sadd.s32 s6, s4  }
0x9: {  	v0 =	vlaneseq.u32;
	s7 =	ssub.s32 s30, s31;
	s4 =	sadd.s32 s5, s6;
	s5 =	sadd.s32 $0x7A1E00, s8  }
0xa: {  	v1 =	vor.u32 $0x10, v0;
	v2 =	vor.u32 $0x20, v0;
	v3 =	vor.u32 $0x30, v0;
	s6 =	smax.u32 s7, $0x1;
	s7 =	simm.s32 $0x2;
	s8 =	simm.s32 $0x80  }
.LBB2_1:
0xb: {  	[tilespmem:s2], [sflag:$0x2] =	stream.linear.gather [hbm4b:s4+s2], $0x8000, $0x38;
	[tilespmem:$0x18000] =	vst v63  }
0xc: {  	_ =	swait.ge [sflag:s7], $0x8000  }
0xd: {  	[sflag:s7] =	ssyncset.done $0x0  }
0xe: {  	s12 =	simm.s32 $0x40;
	[sflag:s7] =	ssyncadd.s32 $0xFFFF8000  }
0xf: {  	v4 =	vld [tilespmem:s12+$0xFFFFFFC0];
	_ =	sdelay $0x4  }
0x10: {  	v4 =	vshll.u32 v4, $0x6  }
0x11: {  	s13 =	simm.s32 $0x8000;
	v4 =	vor.u32 v0, v4  }
0x12: {  	[tilespmem:s13+$0x0] =	vst v4  }
0x13: {  	v4 =	vld [tilespmem:s12+$0xFFFFFFD0];
	_ =	sdelay $0x4  }
0x14: {  	v4 =	vshll.u32 v4, $0x6  }
0x15: {  	v4 =	vor.u32 v1, v4  }
0x16: {  	[tilespmem:s13+$0x10] =	vst v4  }
0x17: {  	v4 =	vld [tilespmem:s12+$0xFFFFFFE0];
	_ =	sdelay $0x4  }
0x18: {  	v4 =	vshll.u32 v4, $0x6  }
0x19: {  	v4 =	vor.u32 v2, v4  }
0x1a: {  	[tilespmem:s13+$0x20] =	vst v4  }
0x1b: {  	v4 =	vld [tilespmem:s12+$0xFFFFFFF0];
	_ =	sdelay $0x4  }
0x1c: {  	v4 =	vshll.u32 v4, $0x6  }
0x1d: {  	v4 =	vor.u32 v3, v4  }
0x1e: {  	[tilespmem:s13+$0x30] =	vst v4  }
0x1f: {  	v4 =	vld [tilespmem:s12+$0x0];
	_ =	sdelay $0x4  }
0x20: {  	v4 =	vshll.u32 v4, $0x6  }
0x21: {  	v4 =	vor.u32 v0, v4  }
0x22: {  	[tilespmem:s13+$0x40] =	vst v4  }
0x23: {  	v4 =	vld [tilespmem:s12+$0x10];
	_ =	sdelay $0x4  }
0x24: {  	v4 =	vshll.u32 v4, $0x6  }
0x25: {  	v4 =	vor.u32 v1, v4  }
0x26: {  	[tilespmem:s13+$0x50] =	vst v4  }
0x27: {  	v4 =	vld [tilespmem:s12+$0x20];
	_ =	sdelay $0x4  }
0x28: {  	v4 =	vshll.u32 v4, $0x6  }
0x29: {  	v4 =	vor.u32 v2, v4  }
0x2a: {  	[tilespmem:s13+$0x60] =	vst v4  }
0x2b: {  	v4 =	vld [tilespmem:s12+$0x30];
	_ =	sdelay $0x4  }
0x2c: {  	v4 =	vshll.u32 v4, $0x6  }
0x2d: {  	p1 =	por $0x1, $0x1;
	v4 =	vor.u32 v3, v4  }
0x2e: {  	s14 =	simm.s32 $0xC0;
	s15 =	simm.s32 $0x10000;
	s17 =	simm.s32 @!p1 $0x1;
	[tilespmem:s13+$0x70] =	vst v4  }
0x2f: {  	[tilespmem:s10], [sflag:$0x1] =	stream.indirect.gather [hbm4b:s3+s8], $0x1, s13, s8, $0xb8;
	[tilespmem:$0x18000] =	vst v63  }
0x30: {  	s12 =	simm.s32 $0x1;
	s13 =	simm.s32 $0x8080;
	_ =	swait.ge @!p1 [sflag:s17], $0x80  }
.LBB2_2:
0x31: {  	[sflag:s17] =	ssyncset.done @!p1 $0x0  }
0x32: {  	s15 =	sadd.s32 $0x80, s15;
	s16 =	smov.u32 s12;
	s12 =	sadd.s32 $0x1, s12  }
0x33: {  	p0 =	sne.s32 s12, $0x100;
	[sflag:s17] =	ssyncadd.s32 @!p1 $0xFFFFFF80  }
0x34: {  	v4 =	vld [tilespmem:s14+$0xFFFFFFC0];
	_ =	sdelay $0x4  }
0x35: {  	v4 =	vshll.u32 v4, $0x6  }
0x36: {  	v4 =	vor.u32 v0, v4  }
0x37: {  	[tilespmem:s13+$0x0] =	vst v4  }
0x38: {  	v4 =	vld [tilespmem:s14+$0xFFFFFFD0];
	_ =	sdelay $0x4  }
0x39: {  	v4 =	vshll.u32 v4, $0x6  }
0x3a: {  	v4 =	vor.u32 v1, v4  }
0x3b: {  	[tilespmem:s13+$0x10] =	vst v4  }
0x3c: {  	v4 =	vld [tilespmem:s14+$0xFFFFFFE0];
	_ =	sdelay $0x4  }
0x3d: {  	v4 =	vshll.u32 v4, $0x6  }
0x3e: {  	v4 =	vor.u32 v2, v4  }
0x3f: {  	[tilespmem:s13+$0x20] =	vst v4  }
0x40: {  	v4 =	vld [tilespmem:s14+$0xFFFFFFF0];
	_ =	sdelay $0x4  }
0x41: {  	v4 =	vshll.u32 v4, $0x6  }
0x42: {  	v4 =	vor.u32 v3, v4  }
0x43: {  	[tilespmem:s13+$0x30] =	vst v4  }
0x44: {  	v4 =	vld [tilespmem:s14+$0x0];
	_ =	sdelay $0x4  }
0x45: {  	v4 =	vshll.u32 v4, $0x6  }
0x46: {  	v4 =	vor.u32 v0, v4  }
0x47: {  	[tilespmem:s13+$0x40] =	vst v4  }
0x48: {  	v4 =	vld [tilespmem:s14+$0x10];
	_ =	sdelay $0x4  }
0x49: {  	v4 =	vshll.u32 v4, $0x6  }
0x4a: {  	v4 =	vor.u32 v1, v4  }
0x4b: {  	[tilespmem:s13+$0x50] =	vst v4  }
0x4c: {  	v4 =	vld [tilespmem:s14+$0x20];
	_ =	sdelay $0x4  }
0x4d: {  	v4 =	vshll.u32 v4, $0x6  }
0x4e: {  	v4 =	vor.u32 v2, v4  }
0x4f: {  	[tilespmem:s13+$0x60] =	vst v4  }
0x50: {  	v4 =	vld [tilespmem:s14+$0x30];
	_ =	sdelay $0x4  }
.Ltmp0:
0x51: {  	v4 =	vshll.u32 v4, $0x6;
	(pc) =	sbr.rel @p0 .LBB2_2-.Ltmp0, $4  }
0x52: {  	p1 =	slt.u32 s16, $0x10;
	v4 =	vor.u32 v3, v4  }
0x53: {  	s17 =	simm.s32 @!p1 $0x1;
	[tilespmem:s13+$0x70] =	vst v4  }
0x54: {  	[tilespmem:s15], [sflag:$0x1] =	stream.indirect.gather [hbm4b:s3+s8], $0x1, s13, s8, $0xb8;
	[tilespmem:$0x18000] =	vst v63  }
0x55: {  	s14 =	sadd.s32 $0x80, s14;
	s13 =	sadd.s32 $0x80, s13;
	_ =	swait.ge @!p1 [sflag:s17], $0x80  }
0x56: {  	[sflag:s17] =	ssyncset.done @!p1 $0x0  }
0x57: {  	[sflag:s17] =	ssyncadd.s32 @!p1 $0xFFFFFF80  }
0x58: {  	_ =	swait.ge [sflag:s9], $0x80  }
0x59: {  	[sflag:s9] =	ssyncset.done $0x0  }
0x5a: {  	[sflag:s9] =	ssyncadd.s32 $0xFFFFFF80  }
0x5b: {  	_ =	swait.ge [sflag:s9], $0x80  }
0x5c: {  	[sflag:s9] =	ssyncset.done $0x0  }
0x5d: {  	[sflag:s9] =	ssyncadd.s32 $0xFFFFFF80  }
0x5e: {  	_ =	swait.ge [sflag:s9], $0x80  }
0x5f: {  	[sflag:s9] =	ssyncset.done $0x0  }
0x60: {  	[sflag:s9] =	ssyncadd.s32 $0xFFFFFF80  }
0x61: {  	_ =	swait.ge [sflag:s9], $0x80  }
0x62: {  	[sflag:s9] =	ssyncset.done $0x0  }
0x63: {  	[sflag:s9] =	ssyncadd.s32 $0xFFFFFF80  }
0x64: {  	_ =	swait.ge [sflag:s9], $0x80  }
0x65: {  	[sflag:s9] =	ssyncset.done $0x0  }
0x66: {  	[sflag:s9] =	ssyncadd.s32 $0xFFFFFF80  }
0x67: {  	_ =	swait.ge [sflag:s9], $0x80  }
0x68: {  	[sflag:s9] =	ssyncset.done $0x0  }
0x69: {  	[sflag:s9] =	ssyncadd.s32 $0xFFFFFF80  }
0x6a: {  	_ =	swait.ge [sflag:s9], $0x80  }
0x6b: {  	[sflag:s9] =	ssyncset.done $0x0  }
0x6c: {  	[sflag:s9] =	ssyncadd.s32 $0xFFFFFF80  }
0x6d: {  	_ =	swait.ge [sflag:s9], $0x80  }
0x6e: {  	[sflag:s9] =	ssyncset.done $0x0  }
0x6f: {  	[sflag:s9] =	ssyncadd.s32 $0xFFFFFF80  }
0x70: {  	_ =	swait.ge [sflag:s9], $0x80  }
0x71: {  	[sflag:s9] =	ssyncset.done $0x0  }
0x72: {  	[sflag:s9] =	ssyncadd.s32 $0xFFFFFF80  }
0x73: {  	_ =	swait.ge [sflag:s9], $0x80  }
0x74: {  	[sflag:s9] =	ssyncset.done $0x0  }
0x75: {  	[sflag:s9] =	ssyncadd.s32 $0xFFFFFF80  }
0x76: {  	_ =	swait.ge [sflag:s9], $0x80  }
0x77: {  	[sflag:s9] =	ssyncset.done $0x0  }
0x78: {  	[sflag:s9] =	ssyncadd.s32 $0xFFFFFF80  }
0x79: {  	_ =	swait.ge [sflag:s9], $0x80  }
0x7a: {  	[sflag:s9] =	ssyncset.done $0x0  }
0x7b: {  	[sflag:s9] =	ssyncadd.s32 $0xFFFFFF80  }
0x7c: {  	_ =	swait.ge [sflag:s9], $0x80  }
0x7d: {  	[sflag:s9] =	ssyncset.done $0x0  }
0x7e: {  	[sflag:s9] =	ssyncadd.s32 $0xFFFFFF80  }
0x7f: {  	_ =	swait.ge [sflag:s9], $0x80  }
0x80: {  	[sflag:s9] =	ssyncset.done $0x0  }
0x81: {  	[sflag:s9] =	ssyncadd.s32 $0xFFFFFF80  }
0x82: {  	_ =	swait.ge [sflag:s9], $0x80  }
0x83: {  	[sflag:s9] =	ssyncset.done $0x0  }
0x84: {  	[sflag:s9] =	ssyncadd.s32 $0xFFFFFF80  }
0x85: {  	s11 =	sadd.s32 $0x1, s11;
	_ =	swait.ge [sflag:s9], $0x80  }
0x86: {  	p0 =	sne.s32 s11, s6;
	[sflag:s9] =	ssyncset.done $0x0  }
.Ltmp1:
0x87: {  	[sflag:s9] =	ssyncadd.s32 $0xFFFFFF80;
	(pc) =	sbr.rel @p0 .LBB2_1-.Ltmp1, $4  }
0x88: {  	[hbm4b:s5+s2] =	stream.linear.scatter [tilespmem:s10], [sflag:$0x2], $0x8000, $0x38;
	[tilespmem:$0x18000] =	vst v63  }
0x89: {  	_ =	swait.ge [sflag:s7], $0x8000  }
0x8a: {  	[sflag:s7] =	ssyncset.done $0x0  }
0x8b: {  	[sflag:s7] =	ssyncadd.s32 $0xFFFF8000  }
0x8c: {  	_ =	sfence.sel $0x180000  }
0x8d: {  	[bflag:$0x0] =	sbarrier.arrive $0xFFFF  }
0x8e: {  	p0 =	sne.s32 s1, $0x0;
	_ =	strace $0x90000047  }
0x8f: {  	s0 =	sadd.s32 @!p0 $0x100000, s0;
	[bflag:$0x2] =	sbarrier.arrive $0xFFFF  }
0x90: {  	[sflag:s0] =	ssyncadd.tile.s32 @!p0 $0x1;
	_ =	shalt  }
.Lfunc_end2:
_tile_overlayer_lowered:
.L_overlay_start_2:
0x91: {  	(tag) =	ssettag $0x2  }
0x92: {  	s0 =	rddreg [dreg:$0x0];
	s2 =	stileid.u32  }
0x93: {  	s1 =	rddreg [dreg:$0x1];
	p0 =	sne.s32 s2, $0x0  }
0x94: {  	s3 =	rddreg [dreg:$0x2];
	[bflag:$0x3] =	sbarrier.arrive $0xFFFF;
	s2 =	simm.s32 @!p0 $0x1C02  }
0x95: {  	[timem:s3], [sflag:s2] =	dma.local @!p0 [hbm:s0], s1  }
0x96: {  	s0 =	simm.s32 @!p0 $0x2  }
0x97: {  	_ =	swait.ge @!p0 [sflag:s0], s1  }
0x98: {  	s1 =	ssub.s32 @!p0 $0x0, s1;
	[sflag:s0] =	ssyncset.done @!p0 $0x0  }
0x99: {  	[sflag:s0] =	ssyncadd.s32 @!p0 s1  }
0x9a: {  	[bflag:$0x3] =	sbarrier.arrive $0xFFFF  }
0x9b: {  	_ =	shalt  }

</sc_bundles>
